<compile_context>
chip_gen: v7x
topology: tpu7x:2x2x1
jax: 0.10.2.dev20260603
libtpu: 0.0.44.dev20260713+nightly
codegen_flags: <defaults>
</compile_context>

<pallas_src>
import jax
import jax.numpy as jnp
from jax import lax
from jax.experimental import pallas as pl
from jax.experimental.pallas import tpu as pltpu
from jax.experimental.pallas import tpu_sc as plsc

_NC = 2
_NS = 16
_NW = _NC * _NS
_LANES = 16
_UNROLL = 16


def _tc_add(x_ref, row_ref, o_ref):
    o_ref[:, :] = x_ref[:, :] + row_ref[:, :]


def kernel(x, row_embed):
    B, L, D = x.shape
    table = row_embed[:L]
    x2 = x.reshape(B * L, D)

    tc_out = pl.pallas_call(
        _tc_add,
        grid=(B - 1,),
        in_specs=[
            pl.BlockSpec((L, D), lambda b: (b, 0)),
            pl.BlockSpec((L, D), lambda b: (0, 0)),
        ],
        out_specs=pl.BlockSpec((L, D), lambda b: (b, 0)),
        out_shape=jax.ShapeDtypeStruct(((B - 1) * L, D), x.dtype),
        compiler_params=pltpu.CompilerParams(
            dimension_semantics=("parallel",),
        ),
    )(x2, table)

    l_span = L // _NW
    span_w = l_span * D
    x_flat = x.reshape(-1)
    t_flat = table.reshape(-1)
    sc_base = (B - 1) * L * D

    mesh = plsc.VectorSubcoreMesh(core_axis_name="c", subcore_axis_name="s")

    @pl.kernel(
        out_type=jax.ShapeDtypeStruct((L * D,), x.dtype),
        mesh=mesh,
        scratch_types=[
            pltpu.VMEM((span_w,), jnp.float32),
            pltpu.VMEM((span_w,), jnp.float32),
            pltpu.SemaphoreType.DMA,
            pltpu.SemaphoreType.DMA,
        ],
    )
    def sc_kernel(x_hbm, row_hbm, o_hbm, tbuf, obuf, sem_t, sem_x):
        wid = lax.axis_index("s") * _NC + lax.axis_index("c")
        off = wid * span_w
        t_copy = pltpu.async_copy(row_hbm.at[pl.ds(off, span_w)], tbuf, sem_t)
        x_copy = pltpu.async_copy(
            x_hbm.at[pl.ds(sc_base + off, span_w)], obuf, sem_x
        )
        x_copy.wait()
        t_copy.wait()

        @pl.loop(0, span_w, step=_UNROLL * _LANES)
        def _(k):
            for u in range(_UNROLL):
                s = u * _LANES
                v = tbuf[pl.ds(k + s, _LANES)]
                plsc.addupdate(obuf.at[pl.ds(k + s, _LANES)], v)

        pltpu.sync_copy(obuf, o_hbm.at[pl.ds(off, span_w)])

    sc_out = sc_kernel(x_flat, t_flat).reshape(L, D)
    out = jnp.concatenate([tc_out, sc_out], axis=0)
    return out.reshape(B, L, D)

# --- scband reference (transcript-rebuilt; emitter-appended) ---
"""Pipeline reference for scband-position-encoding-learned-16140487098828 (READ-ONLY COPY).

The authoritative reference and input builder live on the scoring server;
editing this copy changes nothing except your own understanding.
"""

import jax, jax.numpy as jnp
import numpy as np

N_FILTERS = 768
MAX_LEN = 2048
B = 4
L = 2048

def setup_inputs(seed: int = 0) -> dict:
    key = jax.random.key(seed)
    k1, k2 = jax.random.split(key)
    x = jax.random.normal(k1, (B, L, N_FILTERS), dtype=jnp.float32)
    # nn.init.uniform_ -> U[0, 1)
    row_embed = jax.random.uniform(k2, (MAX_LEN, N_FILTERS), dtype=jnp.float32)
    return {"x": x, "row_embed": row_embed}

def reference(x, row_embed):
    # j = arange(x.size(1)); y_emb = row_embed(j)
    j = jnp.arange(x.shape[1])
    y_emb = jnp.take(row_embed, j, axis=0)  # [L, d]
    # pos = y_emb.unsqueeze(0).repeat(B, 1, 1)
    pos = jnp.broadcast_to(y_emb[None, :, :], (x.shape[0], x.shape[1], x.shape[2]))
    return x + pos

if __name__ == "__main__":
    import jax
    _d = setup_inputs()
    print(jax.jit(kernel)(*tuple(_d.values())))

</pallas_src>

<mosaic_0001>
#map = affine_map<(d0, d1) -> (0)>
module attributes {stable_mosaic.version = 14 : i64} {
  func.func @sc_kernel(%arg0: i32, %arg1: i32, %arg2: memref<6291456xf32, #tpu.memory_space<hbm>>, %arg3: memref<1572864xf32, #tpu.memory_space<hbm>>, %arg4: memref<1572864xf32, #tpu.memory_space<hbm>>, %arg5: memref<49152xf32, #tpu.memory_space<vmem>>, %arg6: memref<49152xf32, #tpu.memory_space<vmem>>, %arg7: memref<!tpu.dma_semaphore, #tpu.memory_space<semaphore_mem>>, %arg8: memref<!tpu.dma_semaphore, #tpu.memory_space<semaphore_mem>>) attributes {dimension_semantics = [#tpu.dimension_semantics<core_parallel>, #tpu.dimension_semantics<subcore_parallel>], iteration_bounds = array<i64: 2, 16>, scalar_prefetch = 0 : i64, scratch_operands = 4 : i64, tpu.core_type = #tpu.core_type<sc_vector_subcore>, window_params = [{transform_indices = #map}, {transform_indices = #map}, {transform_indices = #map}]} {
    %mul3A = arith.constant 2 : i32
    %mul3A_0 = arith.muli %arg1, %mul3A : i32
    %add3A = arith.addi %mul3A_0, %arg0 : i32
    %mul3A_1 = arith.constant 49152 : i32
    %mul3A_2 = arith.muli %add3A, %mul3A_1 : i32
    %dma_start3A = tpu.memref_slice %arg3[%mul3A_2] : memref<1572864xf32, #tpu.memory_space<hbm>> -> memref<49152xf32, #tpu.memory_space<hbm>>
    %dma_start3A_3 = tpu.memref_slice %arg3[%mul3A_2] : memref<1572864xf32, #tpu.memory_space<hbm>> -> memref<49152xf32, #tpu.memory_space<hbm>>
    tpu.enqueue_dma source(%dma_start3A_3 : memref<49152xf32, #tpu.memory_space<hbm>>) target(%arg5 : memref<49152xf32, #tpu.memory_space<vmem>>) target_semaphore(%arg7 : memref<!tpu.dma_semaphore, #tpu.memory_space<semaphore_mem>>)
    %add3A_4 = arith.constant 4718592 : i32
    %add3A_5 = arith.addi %add3A_4, %mul3A_2 : i32
    %dma_start3A_6 = tpu.memref_slice %arg2[%add3A_5] : memref<6291456xf32, #tpu.memory_space<hbm>> -> memref<49152xf32, #tpu.memory_space<hbm>>
    %dma_start3A_7 = tpu.memref_slice %arg2[%add3A_5] : memref<6291456xf32, #tpu.memory_space<hbm>> -> memref<49152xf32, #tpu.memory_space<hbm>>
    tpu.enqueue_dma source(%dma_start3A_7 : memref<49152xf32, #tpu.memory_space<hbm>>) target(%arg6 : memref<49152xf32, #tpu.memory_space<vmem>>) target_semaphore(%arg8 : memref<!tpu.dma_semaphore, #tpu.memory_space<semaphore_mem>>)
    %dma_wait3A = tpu.memref_slice %arg2[%add3A_5] : memref<6291456xf32, #tpu.memory_space<hbm>> -> memref<49152xf32, #tpu.memory_space<hbm>>
    %dma_wait3A_8 = tpu.memref_slice %arg2[%add3A_5] : memref<6291456xf32, #tpu.memory_space<hbm>> -> memref<49152xf32, #tpu.memory_space<hbm>>
    tpu.wait_dma2 semaphore(%arg8 : memref<!tpu.dma_semaphore, #tpu.memory_space<semaphore_mem>>) src(%dma_wait3A_8 : memref<49152xf32, #tpu.memory_space<hbm>>) dst(%arg6 : memref<49152xf32, #tpu.memory_space<vmem>>)
    %dma_wait3A_9 = tpu.memref_slice %arg3[%mul3A_2] : memref<1572864xf32, #tpu.memory_space<hbm>> -> memref<49152xf32, #tpu.memory_space<hbm>>
    %dma_wait3A_10 = tpu.memref_slice %arg3[%mul3A_2] : memref<1572864xf32, #tpu.memory_space<hbm>> -> memref<49152xf32, #tpu.memory_space<hbm>>
    tpu.wait_dma2 semaphore(%arg7 : memref<!tpu.dma_semaphore, #tpu.memory_space<semaphore_mem>>) src(%dma_wait3A_10 : memref<49152xf32, #tpu.memory_space<hbm>>) dst(%arg5 : memref<49152xf32, #tpu.memory_space<vmem>>)
    %scan3A = arith.constant 0 : i32
    %scan3A_11 = arith.constant 192 : i32
    %scan3A_12 = arith.addi %scan3A, %scan3A_11 : i32
    %scan3A_13 = arith.constant 1 : i32
    scf.for %scan3A_15 = %scan3A to %scan3A_12 step %scan3A_13  : i32 {
      %mul3A_16 = arith.constant 256 : i32
      %mul3A_17 = arith.muli %scan3A_15, %mul3A_16 : i32
      %add3A_18 = arith.constant 0 : i32
      %add3A_19 = arith.addi %add3A_18, %mul3A_17 : i32
      %add3A_20 = arith.constant 0 : i32
      %add3A_21 = arith.addi %add3A_19, %add3A_20 : i32
      %get3A = arith.index_cast %add3A_21 : i32 to index
      %get3A_22 = tpu.vector_load %arg5[%get3A] {strides = array<i32>} : memref<49152xf32, #tpu.memory_space<vmem>>, vector<16xf32>,
      %get3A_23 = vector.shape_cast %get3A_22 : vector<16xf32> to vector<16xf32>
      %add3A_24 = arith.constant 0 : i32
      %add3A_25 = arith.addi %add3A_19, %add3A_24 : i32
      %swap3A = arith.index_cast %add3A_25 : i32 to index
      %swap3A_26 = tpu.vector_load %arg6[%swap3A] {strides = array<i32>} : memref<49152xf32, #tpu.memory_space<vmem>>, vector<16xf32>,
      %swap3A_27 = vector.shape_cast %swap3A_26 : vector<16xf32> to vector<16xf32>
      %swap3A_28 = vector.shape_cast %get3A_23 : vector<16xf32> to vector<16xf32>
      tpu.vector_store %arg6[%swap3A], %swap3A_28 {add = true, strides = array<i32>} : memref<49152xf32, #tpu.memory_space<vmem>>, vector<16xf32>,
      %add3A_29 = arith.constant 16 : i32
      %add3A_30 = arith.addi %add3A_19, %add3A_29 : i32
      %get3A_31 = arith.index_cast %add3A_30 : i32 to index
      %get3A_32 = tpu.vector_load %arg5[%get3A_31] {strides = array<i32>} : memref<49152xf32, #tpu.memory_space<vmem>>, vector<16xf32>,
      %get3A_33 = vector.shape_cast %get3A_32 : vector<16xf32> to vector<16xf32>
      %add3A_34 = arith.constant 16 : i32
      %add3A_35 = arith.addi %add3A_19, %add3A_34 : i32
      %swap3A_36 = arith.index_cast %add3A_35 : i32 to index
      %swap3A_37 = tpu.vector_load %arg6[%swap3A_36] {strides = array<i32>} : memref<49152xf32, #tpu.memory_space<vmem>>, vector<16xf32>,
      %swap3A_38 = vector.shape_cast %swap3A_37 : vector<16xf32> to vector<16xf32>
      %swap3A_39 = vector.shape_cast %get3A_33 : vector<16xf32> to vector<16xf32>
      tpu.vector_store %arg6[%swap3A_36], %swap3A_39 {add = true, strides = array<i32>} : memref<49152xf32, #tpu.memory_space<vmem>>, vector<16xf32>,
      %add3A_40 = arith.constant 32 : i32
      %add3A_41 = arith.addi %add3A_19, %add3A_40 : i32
      %get3A_42 = arith.index_cast %add3A_41 : i32 to index
      %get3A_43 = tpu.vector_load %arg5[%get3A_42] {strides = array<i32>} : memref<49152xf32, #tpu.memory_space<vmem>>, vector<16xf32>,
      %get3A_44 = vector.shape_cast %get3A_43 : vector<16xf32> to vector<16xf32>
      %add3A_45 = arith.constant 32 : i32
      %add3A_46 = arith.addi %add3A_19, %add3A_45 : i32
      %swap3A_47 = arith.index_cast %add3A_46 : i32 to index
      %swap3A_48 = tpu.vector_load %arg6[%swap3A_47] {strides = array<i32>} : memref<49152xf32, #tpu.memory_space<vmem>>, vector<16xf32>,
      %swap3A_49 = vector.shape_cast %swap3A_48 : vector<16xf32> to vector<16xf32>
      %swap3A_50 = vector.shape_cast %get3A_44 : vector<16xf32> to vector<16xf32>
      tpu.vector_store %arg6[%swap3A_47], %swap3A_50 {add = true, strides = array<i32>} : memref<49152xf32, #tpu.memory_space<vmem>>, vector<16xf32>,
      %add3A_51 = arith.constant 48 : i32
      %add3A_52 = arith.addi %add3A_19, %add3A_51 : i32
      %get3A_53 = arith.index_cast %add3A_52 : i32 to index
      %get3A_54 = tpu.vector_load %arg5[%get3A_53] {strides = array<i32>} : memref<49152xf32, #tpu.memory_space<vmem>>, vector<16xf32>,
      %get3A_55 = vector.shape_cast %get3A_54 : vector<16xf32> to vector<16xf32>
      %add3A_56 = arith.constant 48 : i32
      %add3A_57 = arith.addi %add3A_19, %add3A_56 : i32
      %swap3A_58 = arith.index_cast %add3A_57 : i32 to index
      %swap3A_59 = tpu.vector_load %arg6[%swap3A_58] {strides = array<i32>} : memref<49152xf32, #tpu.memory_space<vmem>>, vector<16xf32>,
      %swap3A_60 = vector.shape_cast %swap3A_59 : vector<16xf32> to vector<16xf32>
      %swap3A_61 = vector.shape_cast %get3A_55 : vector<16xf32> to vector<16xf32>
      tpu.vector_store %arg6[%swap3A_58], %swap3A_61 {add = true, strides = array<i32>} : memref<49152xf32, #tpu.memory_space<vmem>>, vector<16xf32>,
      %add3A_62 = arith.constant 64 : i32
      %add3A_63 = arith.addi %add3A_19, %add3A_62 : i32
      %get3A_64 = arith.index_cast %add3A_63 : i32 to index
      %get3A_65 = tpu.vector_load %arg5[%get3A_64] {strides = array<i32>} : memref<49152xf32, #tpu.memory_space<vmem>>, vector<16xf32>,
      %get3A_66 = vector.shape_cast %get3A_65 : vector<16xf32> to vector<16xf32>
      %add3A_67 = arith.constant 64 : i32
      %add3A_68 = arith.addi %add3A_19, %add3A_67 : i32
      %swap3A_69 = arith.index_cast %add3A_68 : i32 to index
      %swap3A_70 = tpu.vector_load %arg6[%swap3A_69] {strides = array<i32>} : memref<49152xf32, #tpu.memory_space<vmem>>, vector<16xf32>,
      %swap3A_71 = vector.shape_cast %swap3A_70 : vector<16xf32> to vector<16xf32>
      %swap3A_72 = vector.shape_cast %get3A_66 : vector<16xf32> to vector<16xf32>
      tpu.vector_store %arg6[%swap3A_69], %swap3A_72 {add = true, strides = array<i32>} : memref<49152xf32, #tpu.memory_space<vmem>>, vector<16xf32>,
      %add3A_73 = arith.constant 80 : i32
      %add3A_74 = arith.addi %add3A_19, %add3A_73 : i32
      %get3A_75 = arith.index_cast %add3A_74 : i32 to index
      %get3A_76 = tpu.vector_load %arg5[%get3A_75] {strides = array<i32>} : memref<49152xf32, #tpu.memory_space<vmem>>, vector<16xf32>,
      %get3A_77 = vector.shape_cast %get3A_76 : vector<16xf32> to vector<16xf32>
      %add3A_78 = arith.constant 80 : i32
      %add3A_79 = arith.addi %add3A_19, %add3A_78 : i32
      %swap3A_80 = arith.index_cast %add3A_79 : i32 to index
      %swap3A_81 = tpu.vector_load %arg6[%swap3A_80] {strides = array<i32>} : memref<49152xf32, #tpu.memory_space<vmem>>, vector<16xf32>,
      %swap3A_82 = vector.shape_cast %swap3A_81 : vector<16xf32> to vector<16xf32>
      %swap3A_83 = vector.shape_cast %get3A_77 : vector<16xf32> to vector<16xf32>
      tpu.vector_store %arg6[%swap3A_80], %swap3A_83 {add = true, strides = array<i32>} : memref<49152xf32, #tpu.memory_space<vmem>>, vector<16xf32>,
      %add3A_84 = arith.constant 96 : i32
      %add3A_85 = arith.addi %add3A_19, %add3A_84 : i32
      %get3A_86 = arith.index_cast %add3A_85 : i32 to index
      %get3A_87 = tpu.vector_load %arg5[%get3A_86] {strides = array<i32>} : memref<49152xf32, #tpu.memory_space<vmem>>, vector<16xf32>,
      %get3A_88 = vector.shape_cast %get3A_87 : vector<16xf32> to vector<16xf32>
      %add3A_89 = arith.constant 96 : i32
      %add3A_90 = arith.addi %add3A_19, %add3A_89 : i32
      %swap3A_91 = arith.index_cast %add3A_90 : i32 to index
      %swap3A_92 = tpu.vector_load %arg6[%swap3A_91] {strides = array<i32>} : memref<49152xf32, #tpu.memory_space<vmem>>, vector<16xf32>,
      %swap3A_93 = vector.shape_cast %swap3A_92 : vector<16xf32> to vector<16xf32>
      %swap3A_94 = vector.shape_cast %get3A_88 : vector<16xf32> to vector<16xf32>
      tpu.vector_store %arg6[%swap3A_91], %swap3A_94 {add = true, strides = array<i32>} : memref<49152xf32, #tpu.memory_space<vmem>>, vector<16xf32>,
      %add3A_95 = arith.constant 112 : i32
      %add3A_96 = arith.addi %add3A_19, %add3A_95 : i32
      %get3A_97 = arith.index_cast %add3A_96 : i32 to index
      %get3A_98 = tpu.vector_load %arg5[%get3A_97] {strides = array<i32>} : memref<49152xf32, #tpu.memory_space<vmem>>, vector<16xf32>,
      %get3A_99 = vector.shape_cast %get3A_98 : vector<16xf32> to vector<16xf32>
      %add3A_100 = arith.constant 112 : i32
      %add3A_101 = arith.addi %add3A_19, %add3A_100 : i32
      %swap3A_102 = arith.index_cast %add3A_101 : i32 to index
      %swap3A_103 = tpu.vector_load %arg6[%swap3A_102] {strides = array<i32>} : memref<49152xf32, #tpu.memory_space<vmem>>, vector<16xf32>,
      %swap3A_104 = vector.shape_cast %swap3A_103 : vector<16xf32> to vector<16xf32>
      %swap3A_105 = vector.shape_cast %get3A_99 : vector<16xf32> to vector<16xf32>
      tpu.vector_store %arg6[%swap3A_102], %swap3A_105 {add = true, strides = array<i32>} : memref<49152xf32, #tpu.memory_space<vmem>>, vector<16xf32>,
      %add3A_106 = arith.constant 128 : i32
      %add3A_107 = arith.addi %add3A_19, %add3A_106 : i32
      %get3A_108 = arith.index_cast %add3A_107 : i32 to index
      %get3A_109 = tpu.vector_load %arg5[%get3A_108] {strides = array<i32>} : memref<49152xf32, #tpu.memory_space<vmem>>, vector<16xf32>,
      %get3A_110 = vector.shape_cast %get3A_109 : vector<16xf32> to vector<16xf32>
      %add3A_111 = arith.constant 128 : i32
      %add3A_112 = arith.addi %add3A_19, %add3A_111 : i32
      %swap3A_113 = arith.index_cast %add3A_112 : i32 to index
      %swap3A_114 = tpu.vector_load %arg6[%swap3A_113] {strides = array<i32>} : memref<49152xf32, #tpu.memory_space<vmem>>, vector<16xf32>,
      %swap3A_115 = vector.shape_cast %swap3A_114 : vector<16xf32> to vector<16xf32>
      %swap3A_116 = vector.shape_cast %get3A_110 : vector<16xf32> to vector<16xf32>
      tpu.vector_store %arg6[%swap3A_113], %swap3A_116 {add = true, strides = array<i32>} : memref<49152xf32, #tpu.memory_space<vmem>>, vector<16xf32>,
      %add3A_117 = arith.constant 144 : i32
      %add3A_118 = arith.addi %add3A_19, %add3A_117 : i32
      %get3A_119 = arith.index_cast %add3A_118 : i32 to index
      %get3A_120 = tpu.vector_load %arg5[%get3A_119] {strides = array<i32>} : memref<49152xf32, #tpu.memory_space<vmem>>, vector<16xf32>,
      %get3A_121 = vector.shape_cast %get3A_120 : vector<16xf32> to vector<16xf32>
      %add3A_122 = arith.constant 144 : i32
      %add3A_123 = arith.addi %add3A_19, %add3A_122 : i32
      %swap3A_124 = arith.index_cast %add3A_123 : i32 to index
      %swap3A_125 = tpu.vector_load %arg6[%swap3A_124] {strides = array<i32>} : memref<49152xf32, #tpu.memory_space<vmem>>, vector<16xf32>,
      %swap3A_126 = vector.shape_cast %swap3A_125 : vector<16xf32> to vector<16xf32>
      %swap3A_127 = vector.shape_cast %get3A_121 : vector<16xf32> to vector<16xf32>
      tpu.vector_store %arg6[%swap3A_124], %swap3A_127 {add = true, strides = array<i32>} : memref<49152xf32, #tpu.memory_space<vmem>>, vector<16xf32>,
      %add3A_128 = arith.constant 160 : i32
      %add3A_129 = arith.addi %add3A_19, %add3A_128 : i32
      %get3A_130 = arith.index_cast %add3A_129 : i32 to index
      %get3A_131 = tpu.vector_load %arg5[%get3A_130] {strides = array<i32>} : memref<49152xf32, #tpu.memory_space<vmem>>, vector<16xf32>,
      %get3A_132 = vector.shape_cast %get3A_131 : vector<16xf32> to vector<16xf32>
      %add3A_133 = arith.constant 160 : i32
      %add3A_134 = arith.addi %add3A_19, %add3A_133 : i32
      %swap3A_135 = arith.index_cast %add3A_134 : i32 to index
      %swap3A_136 = tpu.vector_load %arg6[%swap3A_135] {strides = array<i32>} : memref<49152xf32, #tpu.memory_space<vmem>>, vector<16xf32>,
      %swap3A_137 = vector.shape_cast %swap3A_136 : vector<16xf32> to vector<16xf32>
      %swap3A_138 = vector.shape_cast %get3A_132 : vector<16xf32> to vector<16xf32>
      tpu.vector_store %arg6[%swap3A_135], %swap3A_138 {add = true, strides = array<i32>} : memref<49152xf32, #tpu.memory_space<vmem>>, vector<16xf32>,
      %add3A_139 = arith.constant 176 : i32
      %add3A_140 = arith.addi %add3A_19, %add3A_139 : i32
      %get3A_141 = arith.index_cast %add3A_140 : i32 to index
      %get3A_142 = tpu.vector_load %arg5[%get3A_141] {strides = array<i32>} : memref<49152xf32, #tpu.memory_space<vmem>>, vector<16xf32>,
      %get3A_143 = vector.shape_cast %get3A_142 : vector<16xf32> to vector<16xf32>
      %add3A_144 = arith.constant 176 : i32
      %add3A_145 = arith.addi %add3A_19, %add3A_144 : i32
      %swap3A_146 = arith.index_cast %add3A_145 : i32 to index
      %swap3A_147 = tpu.vector_load %arg6[%swap3A_146] {strides = array<i32>} : memref<49152xf32, #tpu.memory_space<vmem>>, vector<16xf32>,
      %swap3A_148 = vector.shape_cast %swap3A_147 : vector<16xf32> to vector<16xf32>
      %swap3A_149 = vector.shape_cast %get3A_143 : vector<16xf32> to vector<16xf32>
      tpu.vector_store %arg6[%swap3A_146], %swap3A_149 {add = true, strides = array<i32>} : memref<49152xf32, #tpu.memory_space<vmem>>, vector<16xf32>,
      %add3A_150 = arith.constant 192 : i32
      %add3A_151 = arith.addi %add3A_19, %add3A_150 : i32
      %get3A_152 = arith.index_cast %add3A_151 : i32 to index
      %get3A_153 = tpu.vector_load %arg5[%get3A_152] {strides = array<i32>} : memref<49152xf32, #tpu.memory_space<vmem>>, vector<16xf32>,
      %get3A_154 = vector.shape_cast %get3A_153 : vector<16xf32> to vector<16xf32>
      %add3A_155 = arith.constant 192 : i32
      %add3A_156 = arith.addi %add3A_19, %add3A_155 : i32
      %swap3A_157 = arith.index_cast %add3A_156 : i32 to index
      %swap3A_158 = tpu.vector_load %arg6[%swap3A_157] {strides = array<i32>} : memref<49152xf32, #tpu.memory_space<vmem>>, vector<16xf32>,
      %swap3A_159 = vector.shape_cast %swap3A_158 : vector<16xf32> to vector<16xf32>
      %swap3A_160 = vector.shape_cast %get3A_154 : vector<16xf32> to vector<16xf32>
      tpu.vector_store %arg6[%swap3A_157], %swap3A_160 {add = true, strides = array<i32>} : memref<49152xf32, #tpu.memory_space<vmem>>, vector<16xf32>,
      %add3A_161 = arith.constant 208 : i32
      %add3A_162 = arith.addi %add3A_19, %add3A_161 : i32
      %get3A_163 = arith.index_cast %add3A_162 : i32 to index
      %get3A_164 = tpu.vector_load %arg5[%get3A_163] {strides = array<i32>} : memref<49152xf32, #tpu.memory_space<vmem>>, vector<16xf32>,
      %get3A_165 = vector.shape_cast %get3A_164 : vector<16xf32> to vector<16xf32>
      %add3A_166 = arith.constant 208 : i32
      %add3A_167 = arith.addi %add3A_19, %add3A_166 : i32
      %swap3A_168 = arith.index_cast %add3A_167 : i32 to index
      %swap3A_169 = tpu.vector_load %arg6[%swap3A_168] {strides = array<i32>} : memref<49152xf32, #tpu.memory_space<vmem>>, vector<16xf32>,
      %swap3A_170 = vector.shape_cast %swap3A_169 : vector<16xf32> to vector<16xf32>
      %swap3A_171 = vector.shape_cast %get3A_165 : vector<16xf32> to vector<16xf32>
      tpu.vector_store %arg6[%swap3A_168], %swap3A_171 {add = true, strides = array<i32>} : memref<49152xf32, #tpu.memory_space<vmem>>, vector<16xf32>,
      %add3A_172 = arith.constant 224 : i32
      %add3A_173 = arith.addi %add3A_19, %add3A_172 : i32
      %get3A_174 = arith.index_cast %add3A_173 : i32 to index
      %get3A_175 = tpu.vector_load %arg5[%get3A_174] {strides = array<i32>} : memref<49152xf32, #tpu.memory_space<vmem>>, vector<16xf32>,
      %get3A_176 = vector.shape_cast %get3A_175 : vector<16xf32> to vector<16xf32>
      %add3A_177 = arith.constant 224 : i32
      %add3A_178 = arith.addi %add3A_19, %add3A_177 : i32
      %swap3A_179 = arith.index_cast %add3A_178 : i32 to index
      %swap3A_180 = tpu.vector_load %arg6[%swap3A_179] {strides = array<i32>} : memref<49152xf32, #tpu.memory_space<vmem>>, vector<16xf32>,
      %swap3A_181 = vector.shape_cast %swap3A_180 : vector<16xf32> to vector<16xf32>
      %swap3A_182 = vector.shape_cast %get3A_176 : vector<16xf32> to vector<16xf32>
      tpu.vector_store %arg6[%swap3A_179], %swap3A_182 {add = true, strides = array<i32>} : memref<49152xf32, #tpu.memory_space<vmem>>, vector<16xf32>,
      %add3A_183 = arith.constant 240 : i32
      %add3A_184 = arith.addi %add3A_19, %add3A_183 : i32
      %get3A_185 = arith.index_cast %add3A_184 : i32 to index
      %get3A_186 = tpu.vector_load %arg5[%get3A_185] {strides = array<i32>} : memref<49152xf32, #tpu.memory_space<vmem>>, vector<16xf32>,
      %get3A_187 = vector.shape_cast %get3A_186 : vector<16xf32> to vector<16xf32>
      %add3A_188 = arith.constant 240 : i32
      %add3A_189 = arith.addi %add3A_19, %add3A_188 : i32
      %swap3A_190 = arith.index_cast %add3A_189 : i32 to index
      %swap3A_191 = tpu.vector_load %arg6[%swap3A_190] {strides = array<i32>} : memref<49152xf32, #tpu.memory_space<vmem>>, vector<16xf32>,
      %swap3A_192 = vector.shape_cast %swap3A_191 : vector<16xf32> to vector<16xf32>
      %swap3A_193 = vector.shape_cast %get3A_187 : vector<16xf32> to vector<16xf32>
      tpu.vector_store %arg6[%swap3A_190], %swap3A_193 {add = true, strides = array<i32>} : memref<49152xf32, #tpu.memory_space<vmem>>, vector<16xf32>,
    }
    %scan3A_14 = arith.constant 192 : i32
    "tpu.region"() ({
      %run_scoped3A = tpu.sem_alloc : memref<!tpu.dma_semaphore, #tpu.memory_space<semaphore_mem>>
      %dma_start3A_15 = tpu.memref_slice %arg4[%mul3A_2] : memref<1572864xf32, #tpu.memory_space<hbm>> -> memref<49152xf32, #tpu.memory_space<hbm>>
      %dma_start3A_16 = tpu.memref_slice %arg4[%mul3A_2] : memref<1572864xf32, #tpu.memory_space<hbm>> -> memref<49152xf32, #tpu.memory_space<hbm>>
      tpu.enqueue_dma source(%arg6 : memref<49152xf32, #tpu.memory_space<vmem>>) target(%dma_start3A_16 : memref<49152xf32, #tpu.memory_space<hbm>>) target_semaphore(%run_scoped3A : memref<!tpu.dma_semaphore, #tpu.memory_space<semaphore_mem>>)
      %dma_wait3A_17 = tpu.memref_slice %arg4[%mul3A_2] : memref<1572864xf32, #tpu.memory_space<hbm>> -> memref<49152xf32, #tpu.memory_space<hbm>>
      %dma_wait3A_18 = tpu.memref_slice %arg4[%mul3A_2] : memref<1572864xf32, #tpu.memory_space<hbm>> -> memref<49152xf32, #tpu.memory_space<hbm>>
      tpu.wait_dma2 semaphore(%run_scoped3A : memref<!tpu.dma_semaphore, #tpu.memory_space<semaphore_mem>>) src(%arg6 : memref<49152xf32, #tpu.memory_space<vmem>>) dst(%dma_wait3A_18 : memref<49152xf32, #tpu.memory_space<hbm>>)
      tpu.yield
    }) : () -> ()
    return
  }
}

module attributes {stable_mosaic.version = 14 : i64} {
  func.func @_tc_add(%arg0: i32, %arg1: memref<2048x768xf32, #tpu.memory_space<vmem>>, %arg2: memref<2048x768xf32, #tpu.memory_space<vmem>>, %arg3: memref<2048x768xf32, #tpu.memory_space<vmem>>) attributes {dimension_semantics = [#tpu.dimension_semantics<parallel>], iteration_bounds = array<i64: 3>, scalar_prefetch = 0 : i64, scratch_operands = 0 : i64, tpu.core_type = #tpu.core_type<tc>, window_params = [{transform_indices = @transform_0, window_bounds = array<i64: 2048, 768>}, {pipeline_mode = #tpu.pipeline_mode<synchronous>, transform_indices = @transform_1, window_bounds = array<i64: 2048, 768>}, {transform_indices = @transform_2, window_bounds = array<i64: 2048, 768>}]} {
    %get3A = arith.constant 0 : index
    %get3A_0 = arith.constant 0 : index
    %get3A_1 = vector.load %arg1[%get3A, %get3A_0] : memref<2048x768xf32, #tpu.memory_space<vmem>>, vector<2048x768xf32>
    %get3A_2 = arith.constant 0 : index
    %get3A_3 = arith.constant 0 : index
    %get3A_4 = vector.load %arg2[%get3A_2, %get3A_3] : memref<2048x768xf32, #tpu.memory_space<vmem>>, vector<2048x768xf32>
    %add3A = arith.addf %get3A_1, %get3A_4 : vector<2048x768xf32>
    %swap3A = arith.constant 0 : index
    %swap3A_5 = arith.constant 0 : index
    %swap3A_6 = vector.load %arg3[%swap3A, %swap3A_5] : memref<2048x768xf32, #tpu.memory_space<vmem>>, vector<2048x768xf32>
    tpu.vector_store %arg3[%swap3A, %swap3A_5], %add3A {strides = array<i32>} : memref<2048x768xf32, #tpu.memory_space<vmem>>, vector<2048x768xf32>,
    return
  }
  func.func @transform_0(%arg0: i32) -> (i32, i32) {
    %c0_i32 = arith.constant 0 : i32
    %c0_i32_0 = arith.constant 0 : i32
    return %arg0, %c0_i32 : i32, i32
  }
  func.func @transform_1(%arg0: i32) -> (i32, i32) {
    %c0_i32 = arith.constant 0 : i32
    %c0_i32_0 = arith.constant 0 : i32
    %c0_i32_1 = arith.constant 0 : i32
    return %c0_i32, %c0_i32_0 : i32, i32
  }
  func.func @transform_2(%arg0: i32) -> (i32, i32) {
    %c0_i32 = arith.constant 0 : i32
    %c0_i32_0 = arith.constant 0 : i32
    return %arg0, %c0_i32 : i32, i32
  }
}

</mosaic_0001>

<sc_bundles>
// kernel: kernel.4.cloned.1.call-start
scs
__scs_entry_jumppad:
0x0: {  	(pc) =	sbr.rel $0x88, $3  }
0x1: {  	(tag) =	ssettag $0x0;
	lr =	simm.s32 $0x1  }
0x2: {  	[smem:$0x3F9F] =	sst lr;
	_ =	strace $0xD0000000  }
0x3: {  	_ = 	snop  }
0x4: {  	_ = 	snop  }
0x5: {  	_ = 	snop  }
0x6: {  	_ = 	snop  }
0x7: {  	_ = 	snop  }
__scs_overlays_trampoline_lowered:
0x8: {  	[smem:$0x3FAE] =	sst s0  }
0x9: {  	[smem:$0x3FAF] =	sst s1  }
0xa: {  	[smem:$0x3FB0] =	sst s2  }
0xb: {  	[smem:$0x3FB1] =	sst s3  }
0xc: {  	[smem:$0x3FB2] =	sst s4  }
0xd: {  	[smem:$0x3FB3] =	sst s5  }
0xe: {  	[smem:$0x3FB4] =	sst s6  }
0xf: {  	[smem:$0x3FB5] =	sst s7  }
0x10: {  	[smem:$0x3FB6] =	sst s8  }
0x11: {  	[smem:$0x3FB7] =	sst s9;
	s0 =	simm.s32 @!p0 $0x0  }
0x12: {  	s1 =	sld [smem:$0x3F9D];
	s0 =	simm.s32 @p0 $0x1  }
0x13: {  	[smem:$0x3FB8] =	sst s0;
	s0 =	simm.s32 @!p1 $0x0  }
0x14: {  	s2 =	sld [smem:$0x3F9C];
	s0 =	simm.s32 @p1 $0x1  }
0x15: {  	[smem:$0x3FB9] =	sst s0;
	s0 =	simm.s32 @!p2 $0x0  }
0x16: {  	s3 =	sld [smem:$0x3FDB];
	s0 =	simm.s32 @p2 $0x1  }
0x17: {  	s4 =	simm.s32 $0x1BF5;
	[smem:$0x3FBB] =	sst s0  }
0x18: {  	s0 =	sld [smem:$0x3F9E];
	_ =	swait.ge [sflag:s4], $0x0  }
0x19: {  	s7 =	sld [smem:$0x3F9F]  }
0x1a: {  	s8 =	sadd.s32 $0xFFFFE003, lr  }
0x1b: {  	s9 =	sadd.s32 $0xFFFFFEF7, lr;
	s5 =	simm.s32 $0xFFFFFFFF;
	p2 =	slt.u32 s8, $0xFFFFF086  }
0x1c: {  	p1 =	slt.u32 s9, $0xF7A;
	s5 =	simm.s32 @!p2 $0x0  }
0x1d: {  	s5 =	simm.s32 @p1 $0x1;
	p0 =	seq.s32 s7, s2  }
0x1e: {  	s7 =	smul.u32 @!p0 $0xF7A, s2;
	p2 =	seq.s32 @!p0 s5, $0x0  }
0x1f: {  	s9 =	smul.u32 $0xF7A, s1;
	s8 =	simm.s32 @!p0 $0x1BF5;
	p2 =	por !p2, p0  }
0x20: {  	[sflag:s8] =	ssyncset.s32 @!p0 $0xFFFFF086;
	s6 =	sadd.s32 @!p0 s3, s7;
	s7 =	simm.s32 @!p0 $0x108  }
0x21: {  	s3 =	sadd.s32 s3, s9;
	s6 =	sadd.s32 @!p0 $0x88, s6;
	s7 =	simm.s32 @p2 $0x1082  }
0x22: {  	[simem:s7], [sflag:s8] =	dma.local @!p0 [hbm:s6], $0xF7A  }
0x23: {  	s9 =	sor.u32 $0xD0000000, s2;
	s6 =	simm.s32 $0x108;
	_ =	swait.ge @!p0 [sflag:s8], $0x0  }
0x24: {  	s3 =	sadd.s32 $0x88, s3;
	s6 =	simm.s32 @!p1 $0x1082;
	[sflag:s4] =	ssyncset.s32 $0xFFFFF086  }
0x25: {  	[simem:s6], [sflag:s4] =	dma.local [hbm:s3], $0xF7A  }
0x26: {  	[smem:$0x3F9F] =	sst s1;
	(tag) =	ssettag s2;
	_ =	strace s9  }
0x27: {  	s1 =	sld [smem:$0x3FAF]  }
0x28: {  	s2 =	sld [smem:$0x3FB0]  }
0x29: {  	s4 =	sld [smem:$0x3FB2]  }
0x2a: {  	p0 =	seq.s32 s5, $0x0;
	s5 =	sld [smem:$0x3FB3]  }
0x2b: {  	s6 =	sld [smem:$0x3FB4]  }
0x2c: {  	s7 =	sld [smem:$0x3FB5]  }
0x2d: {  	s3 =	simm.s32 $0x108;
	s8 =	sld [smem:$0x3FB6]  }
0x2e: {  	s3 =	simm.s32 @!p0 $0x1082;
	s9 =	sld [smem:$0x3FB7]  }
0x2f: {  	lr =	sadd.s32 s0, s3;
	s0 =	sld [smem:$0x3FAE]  }
0x30: {  	s3 =	sld [smem:$0x3FB1]  }
0x31: {  	[smem:$0x3FBA] =	sst s10  }
0x32: {  	s10 =	sld [smem:$0x3FB8];
	_ =	sdelay $0x3  }
0x33: {  	p0 =	seq.s32 s10, $0x1;
	s10 =	sld [smem:$0x3FBA];
	_ =	sdelay $0x3  }
0x34: {  	[smem:$0x3FBA] =	sst s10  }
0x35: {  	s10 =	sld [smem:$0x3FB9];
	_ =	sdelay $0x3  }
0x36: {  	p1 =	seq.s32 s10, $0x1;
	s10 =	sld [smem:$0x3FBA];
	_ =	sdelay $0x3  }
0x37: {  	[smem:$0x3FBA] =	sst s10  }
0x38: {  	s10 =	sld [smem:$0x3FBB]  }
0x39: {  	_ = 	snop;
	(pc) =	sbr.ind lr, $3  }
0x3a: {  	_ = 	snop  }
0x3b: {  	_ = 	snop  }
0x3c: {  	p2 =	seq.s32 s10, $0x1;
	s10 =	sld [smem:$0x3FBA]  }
0x3d: {  	_ =	shalt  }
0x3e: {  	_ =	shalt  }
0x3f: {  	_ =	shalt  }
0x40: {  	_ =	shalt  }
0x41: {  	_ =	shalt  }
0x42: {  	_ =	shalt  }
0x43: {  	_ =	shalt  }
0x44: {  	_ =	shalt  }
0x45: {  	_ =	shalt  }
0x46: {  	_ =	shalt  }
0x47: {  	_ =	shalt  }
0x48: {  	_ =	shalt  }
0x49: {  	_ =	shalt  }
0x4a: {  	_ =	shalt  }
0x4b: {  	_ =	shalt  }
0x4c: {  	_ =	shalt  }
0x4d: {  	_ =	shalt  }
0x4e: {  	_ =	shalt  }
0x4f: {  	_ =	shalt  }
0x50: {  	_ =	shalt  }
0x51: {  	_ =	shalt  }
0x52: {  	_ =	shalt  }
0x53: {  	_ =	shalt  }
0x54: {  	_ =	shalt  }
0x55: {  	_ =	shalt  }
0x56: {  	_ =	shalt  }
0x57: {  	_ =	shalt  }
0x58: {  	_ =	shalt  }
0x59: {  	_ =	shalt  }
0x5a: {  	_ =	shalt  }
0x5b: {  	_ =	shalt  }
0x5c: {  	_ =	shalt  }
0x5d: {  	_ =	shalt  }
0x5e: {  	_ =	shalt  }
0x5f: {  	_ =	shalt  }
0x60: {  	_ =	shalt  }
0x61: {  	_ =	shalt  }
0x62: {  	_ =	shalt  }
0x63: {  	_ =	shalt  }
0x64: {  	_ =	shalt  }
0x65: {  	_ =	shalt  }
0x66: {  	_ =	shalt  }
0x67: {  	_ =	shalt  }
0x68: {  	_ =	shalt  }
0x69: {  	_ =	shalt  }
0x6a: {  	_ =	shalt  }
0x6b: {  	_ =	shalt  }
0x6c: {  	_ =	shalt  }
0x6d: {  	_ =	shalt  }
0x6e: {  	_ =	shalt  }
0x6f: {  	_ =	shalt  }
0x70: {  	_ =	shalt  }
0x71: {  	_ =	shalt  }
0x72: {  	_ =	shalt  }
0x73: {  	_ =	shalt  }
0x74: {  	_ =	shalt  }
0x75: {  	_ =	shalt  }
0x76: {  	_ =	shalt  }
0x77: {  	_ =	shalt  }
0x78: {  	_ =	shalt  }
0x79: {  	_ =	shalt  }
0x7a: {  	_ =	shalt  }
0x7b: {  	_ =	shalt  }
0x7c: {  	_ =	shalt  }
0x7d: {  	_ =	shalt  }
0x7e: {  	_ =	shalt  }
0x7f: {  	_ =	shalt  }
0x80: {  	_ =	shalt  }
0x81: {  	_ =	shalt  }
0x82: {  	_ =	shalt  }
0x83: {  	_ =	shalt  }
0x84: {  	_ =	shalt  }
0x85: {  	_ =	shalt  }
0x86: {  	_ =	shalt  }
0x87: {  	_ =	shalt  }
.Lfunc_end0:
.L_simem_size_0:
called_computation_lowered:
.L_overlay_start_0:
0x88: {  	s2 =	sld [smem:$0x3FD9]  }
0x89: {  	s3 =	sld [smem:$0x3FFE];
	_ =	sdelay $0x1  }
0x8a: {  	s1 =	srdreg.scid  }
0x8b: {  	s0 =	sand.u32 $0x1, s1  }
0x8c: {  	s17 =	sshll.u32 s0, $0xA;
	s2 =	sadd.s32 s3, s2  }
0x8d: {  	s2 =	sadd.s32 s2, s17  }
0x8e: {  	[smem:$0x3FC6] =	sst s2  }
0x8f: {  	_ = 	snop  }
0x90: {  	s2 =	sld [smem:$0x3FD0];
	(tm) =	ssettm $0x1  }
0x91: {  	s18 =	sld [smem:$0x3FFB];
	_ =	sdelay $0x3  }
0x92: {  	_ =	strace s18  }
0x93: {  	s3 =	sld [smem:$0x3FFC];
	_ =	sdelay $0x3  }
0x94: {  	_ =	strace s3  }
0x95: {  	s3 =	sld [smem:$0x3FFD];
	_ =	sdelay $0x3  }
0x96: {  	_ =	strace s3  }
0x97: {  	_ =	strace $0x8FFFFFFF  }
0x98: {  	s19 =	sld [smem:$0x3FDB];
	_ =	sdelay $0x1  }
0x99: {  	s4 =	simm.s32 $_scs_section_size  }
0x9a: {  	s5 =	simm.s32 $_size__tile_overlayer_lowered;
	s6 =	simm.s32 $_tile_overlayer_lowered  }
0x9b: {  	s22 =	simm.s32 $0x1BFF;
	s21 =	sshll.u32 s6, $0x1;
	s3 =	sadd.s32 s4, s19  }
0x9c: {  	s7 =	simm.s32 $0x0;
	s20 =	sshll.u32 s5, $0x1;
	s5 =	sadd.s32 s21, s3  }
0x9d: {  	[timem:s7], [sflag:s22] =	dma.local [hbm:s5], s20  }
0x9e: {  	_ =	swait.ge [sflag:s22], s20  }
0x9f: {  	s4 =	ssub.s32 $0x0, s20;
	[sflag:s22] =	ssyncset.done $0x0  }
0xa0: {  	[sflag:s22] =	ssyncadd.s32 s4;
	_ =	sdelay $0x1  }
0xa1: {  	s23 =	simm.s32 $0x1B8B  }
0xa2: {  	_ =	swait.ge [sflag:s23], $0x1  }
0xa3: {  	[sflag:s23] =	ssyncset.done $0x0  }
0xa4: {  	s25 =	simm.s32 $0x1B8E;
	s24 =	sld [smem:$0x3FFE];
	[sflag:s23] =	ssyncadd.s32 $0xFFFFFFFF  }
0xa5: {  	s26 =	simm.s32 $execute0_lowered;
	[smem:$0x3FD2] =	sst s25  }
0xa6: {  	s5 =	sshll.u32 s26, $0x1;
	_ =	strace $0x80000046;
	[dreg:$0x1] =	wrdreg $0xFFFFFFFF  }
0xa7: {  	s28 =	simm.s32 $_size_execute0_lowered;
	s3 =	sadd.s32 s3, s5;
	[dreg:$0x0] =	wrdreg $0x0  }
0xa8: {  	s5 =	sshll.u32 s28, $0x1;
	[dreg:$0x2] =	wrdreg s3  }
0xa9: {  	[dreg:$0x3] =	wrdreg s5  }
0xaa: {  	[dreg:$0x4] =	wrdreg $0xC0  }
0xab: {  	_ =	task [dreg:s7], $0x5FFFF  }
0xac: {  	[dreg:$0x1] =	wrdreg $0xFFFFFFFF  }
0xad: {  	[dreg:$0x0] =	wrdreg $0x60  }
0xae: {  	[dreg:$0x2] =	wrdreg s2  }
0xaf: {  	[dreg:$0x3] =	wrdreg s24  }
0xb0: {  	[dreg:$0x4] =	wrdreg $0x9  }
0xb1: {  	_ =	task.clear_ibuf [dreg:s7], $0x5FFFF;
	_ =	strace $0x90000046  }
0xb2: {  	s29 =	simm.s32 $0x9;
	_ =	strace $0x80000048  }
0xb3: {  	_ =	swait.ge [sflag:s29], $0x1  }
0xb4: {  	[sflag:s29] =	ssyncadd.s32 $0xFFFFFFFF  }
0xb5: {  	_ =	strace $0x90000048  }
0xb6: {  	_ =	sfence  }
0xb7: {  	s30 =	sld [smem:$0x0];
	_ =	sdelay $0x2  }
0xb8: {  	s31 =	sshll.u32 s1, $0xD;
	s1 =	sshrl.u32 s1, $0x2  }
0xb9: {  	s3 =	sand.u32 $0x4000, s31;
	s1 =	sadd.s32 s1, s30  }
0xba: {  	s0 =	sor.u32 s3, s0;
	s1 =	sshll.u32 s1, $0x11  }
0xbb: {  	s0 =	sor.u32 s1, s0  }
0xbc: {  	s0 =	sadd.s32 $0x8F2B, s0  }
0xbd: {  	[sflag:s0] =	ssyncadd.remote.s32 $0x1  }
0xbe: {  	_ =	sfence.sel $0xFFFF  }
0xbf: {  	[dreg:$0x0] =	wrdreg $0xFFFFFFFF;
	(pc) =	sbr.abs _section_cstart, $3  }
0xc0: {  	[dreg:$0x1] =	wrdreg $0xFFFFFFFF  }
0xc1: {  	_ =	task.clear_ibuf [dreg:s7], $0x2FFFF;
	_ =	strace $0x9FFFFFFF  }
0xc2: {  	(tm) =	ssettm $0x7FFFFFFF  }
0xc3: {  	_ =	shalt  }
tec
execute0_lowered:
.L_overlay_start_1:
0x0: {  	(tag) =	ssettag $0x1  }
0x1: {  	s1 =	srdreg.scid  }
0x2: {  	s0 =	stileid.u32;
	s3 =	rddreg [dreg:$0x0]  }
0x3: {  	s5 =	rddreg [dreg:$0x1];
	s4 =	sand.u32 $0x1, s1;
	s30 =	sshll.u32 s0, $0x1  }
0x4: {  	s2 =	simm.s32 $0x0;
	s8 =	simm.s32 $0x2;
	s6 =	sor.u32 s4, s30  }
0x5: {  	s9 =	simm.s32 $0x1;
	s10 =	simm.s32 $0x3;
	s6 =	smul.u32 $0xC000, s6  }
0x6: {  	s11 =	simm.s32 $0x0;
	s1 =	rddreg [dreg:$0x2];
	s4 =	ssub.s32 $0x2, s4  }
0x7: {  	[smem:$0x7FF] =	sst s2;
	s7 =	sshrl.u32 s4, $0x1;
	s6 =	sshrl.u32 s6, $0x3  }
0x8: {  	_ =	strace $0x80000047;
	s7 =	ssub.s32 s4, s7;
	s5 =	sadd.s32 s6, s5  }
0x9: {  	s31 =	sadd.s32 s3, s6;
	s6 =	smax.u32 s7, $0x1;
	s7 =	simm.s32 $0xC000  }
0xa: {  	s3 =	sadd.s32 $0x600, s5;
	s4 =	sadd.s32 $0x90000, s31;
	s5 =	sadd.s32 $0x30600, s5  }
.LBB2_1:
0xb: {  	[tilespmem:s2], [sflag:$0x1] =	stream.linear.gather [hbm4b:s3+s2], $0xC000, $0x38;
	[tilespmem:$0x18000] =	vst v63  }
0xc: {  	_ = 	snop  }
0xd: {  	[tilespmem:s7], [sflag:$0x2] =	stream.linear.gather [hbm4b:s4+s2], $0xC000, $0x38;
	[tilespmem:$0x18000] =	vst v63  }
0xe: {  	_ =	swait.ge [sflag:s8], $0xC000  }
0xf: {  	[sflag:s8] =	ssyncset.done $0x0  }
0x10: {  	[sflag:s8] =	ssyncadd.s32 $0xFFFF4000  }
0x11: {  	_ =	swait.ge [sflag:s9], $0xC000  }
0x12: {  	[sflag:s9] =	ssyncset.done $0x0  }
0x13: {  	s12 =	simm.s32 $0x0;
	s13 =	simm.s32 $0x400;
	[sflag:s9] =	ssyncadd.s32 $0xFFFF4000  }
.LBB2_2:
0x14: {  	p0 =	sne.s32 s13, $0x2FC00;
	v0 =	vld [tilespmem:s12+$0xF0]  }
0x15: {  	v1 =	vld [tilespmem:s12+$0x0]  }
0x16: {  	v2 =	vld [tilespmem:s12+$0x10]  }
0x17: {  	v3 =	vld [tilespmem:s12+$0x20]  }
0x18: {  	v4 =	vld [tilespmem:s12+$0x30]  }
0x19: {  	[tilespmem:s12+$0xC0F0] =	vst.add.f32.msk $0xffff, v0  }
0x1a: {  	v0 =	vld [tilespmem:s12+$0x40]  }
0x1b: {  	v5 =	vld [tilespmem:s12+$0x50]  }
0x1c: {  	v6 =	vld [tilespmem:s12+$0x60]  }
0x1d: {  	v7 =	vld [tilespmem:s12+$0x70]  }
0x1e: {  	v8 =	vld [tilespmem:s12+$0x80]  }
0x1f: {  	v9 =	vld [tilespmem:s12+$0x90]  }
0x20: {  	v10 =	vld [tilespmem:s12+$0xA0]  }
0x21: {  	v11 =	vld [tilespmem:s12+$0xB0]  }
0x22: {  	v12 =	vld [tilespmem:s12+$0xC0]  }
0x23: {  	v13 =	vld [tilespmem:s12+$0xD0]  }
0x24: {  	v14 =	vld [tilespmem:s12+$0xE0]  }
0x25: {  	[tilespmem:s12+$0xC000] =	vst.add.f32.msk $0xffff, v1  }
0x26: {  	[tilespmem:s12+$0xC010] =	vst.add.f32.msk $0xffff, v2  }
0x27: {  	[tilespmem:s12+$0xC020] =	vst.add.f32.msk $0xffff, v3  }
0x28: {  	[tilespmem:s12+$0xC030] =	vst.add.f32.msk $0xffff, v4  }
0x29: {  	[tilespmem:s12+$0xC040] =	vst.add.f32.msk $0xffff, v0  }
0x2a: {  	[tilespmem:s12+$0xC050] =	vst.add.f32.msk $0xffff, v5  }
0x2b: {  	[tilespmem:s12+$0xC060] =	vst.add.f32.msk $0xffff, v6  }
0x2c: {  	[tilespmem:s12+$0xC070] =	vst.add.f32.msk $0xffff, v7  }
0x2d: {  	[tilespmem:s12+$0xC080] =	vst.add.f32.msk $0xffff, v8  }
0x2e: {  	[tilespmem:s12+$0xC090] =	vst.add.f32.msk $0xffff, v9  }
.Ltmp0:
0x2f: {  	[tilespmem:s12+$0xC0A0] =	vst.add.f32.msk $0xffff, v10;
	(pc) =	sbr.rel @p0 .LBB2_2-.Ltmp0, $4  }
0x30: {  	[tilespmem:s12+$0xC0B0] =	vst.add.f32.msk $0xffff, v11  }
0x31: {  	[tilespmem:s12+$0xC0C0] =	vst.add.f32.msk $0xffff, v12  }
0x32: {  	[tilespmem:s12+$0xC0D0] =	vst.add.f32.msk $0xffff, v13  }
0x33: {  	[tilespmem:s12+$0xC0E0] =	vst.add.f32.msk $0xffff, v14;
	s12 =	sshra.s32 s13, $0x2;
	s13 =	sadd.s32 $0x400, s13  }
0x34: {  	v0 =	vld [tilespmem:s12+$0xF0]  }
0x35: {  	v1 =	vld [tilespmem:s12+$0x0]  }
0x36: {  	v2 =	vld [tilespmem:s12+$0x10]  }
0x37: {  	v3 =	vld [tilespmem:s12+$0x20]  }
0x38: {  	v4 =	vld [tilespmem:s12+$0x30]  }
0x39: {  	v63 =	vld [tilespmem:s12+$0x40]  }
0x3a: {  	v5 =	vld [tilespmem:s12+$0x50]  }
0x3b: {  	v6 =	vld [tilespmem:s12+$0x60]  }
0x3c: {  	v7 =	vld [tilespmem:s12+$0x70]  }
0x3d: {  	v8 =	vld [tilespmem:s12+$0x80]  }
0x3e: {  	v9 =	vld [tilespmem:s12+$0x90]  }
0x3f: {  	v10 =	vld [tilespmem:s12+$0xA0]  }
0x40: {  	v11 =	vld [tilespmem:s12+$0xB0]  }
0x41: {  	v12 =	vld [tilespmem:s12+$0xC0]  }
0x42: {  	v13 =	vld [tilespmem:s12+$0xD0]  }
0x43: {  	v14 =	vld [tilespmem:s12+$0xE0]  }
0x44: {  	[tilespmem:s12+$0xC0F0] =	vst.add.f32.msk $0xffff, v0  }
0x45: {  	[tilespmem:s12+$0xC000] =	vst.add.f32.msk $0xffff, v1  }
0x46: {  	[tilespmem:s12+$0xC010] =	vst.add.f32.msk $0xffff, v2  }
0x47: {  	[tilespmem:s12+$0xC020] =	vst.add.f32.msk $0xffff, v3  }
0x48: {  	[tilespmem:s12+$0xC030] =	vst.add.f32.msk $0xffff, v4  }
0x49: {  	[tilespmem:s12+$0xC040] =	vst.add.f32.msk $0xffff, v63  }
0x4a: {  	[tilespmem:s12+$0xC050] =	vst.add.f32.msk $0xffff, v5  }
0x4b: {  	[tilespmem:s12+$0xC060] =	vst.add.f32.msk $0xffff, v6  }
0x4c: {  	[tilespmem:s12+$0xC070] =	vst.add.f32.msk $0xffff, v7  }
0x4d: {  	[tilespmem:s12+$0xC080] =	vst.add.f32.msk $0xffff, v8  }
0x4e: {  	[tilespmem:s12+$0xC090] =	vst.add.f32.msk $0xffff, v9  }
0x4f: {  	[tilespmem:s12+$0xC0A0] =	vst.add.f32.msk $0xffff, v10  }
0x50: {  	[tilespmem:s12+$0xC0B0] =	vst.add.f32.msk $0xffff, v11  }
0x51: {  	s11 =	sadd.s32 $0x1, s11;
	[tilespmem:s12+$0xC0C0] =	vst.add.f32.msk $0xffff, v12  }
0x52: {  	p0 =	sne.s32 s11, s6;
	[tilespmem:s12+$0xC0D0] =	vst.add.f32.msk $0xffff, v13  }
.Ltmp1:
0x53: {  	[tilespmem:s12+$0xC0E0] =	vst.add.f32.msk $0xffff, v14;
	(pc) =	sbr.rel @p0 .LBB2_1-.Ltmp1, $4  }
0x54: {  	[hbm4b:s5+s2] =	stream.linear.scatter [tilespmem:s7], [sflag:$0x3], $0xC000, $0x38;
	[tilespmem:$0x18000] =	vst v63  }
0x55: {  	_ =	swait.ge [sflag:s10], $0xC000  }
0x56: {  	[sflag:s10] =	ssyncset.done $0x0  }
0x57: {  	[sflag:s10] =	ssyncadd.s32 $0xFFFF4000  }
0x58: {  	_ =	sfence.sel $0x180000  }
0x59: {  	[bflag:$0x0] =	sbarrier.arrive $0xFFFF  }
0x5a: {  	p0 =	sne.s32 s0, $0x0;
	_ =	strace $0x90000047  }
0x5b: {  	s0 =	sadd.s32 @!p0 $0x100000, s1;
	[bflag:$0x2] =	sbarrier.arrive $0xFFFF  }
0x5c: {  	[sflag:s0] =	ssyncadd.tile.s32 @!p0 $0x1;
	_ =	shalt  }
.Lfunc_end2:
_tile_overlayer_lowered:
.L_overlay_start_2:
0x5d: {  	(tag) =	ssettag $0x2  }
0x5e: {  	s0 =	rddreg [dreg:$0x0];
	s2 =	stileid.u32  }
0x5f: {  	s1 =	rddreg [dreg:$0x1];
	p0 =	sne.s32 s2, $0x0  }
0x60: {  	s3 =	rddreg [dreg:$0x2];
	[bflag:$0x3] =	sbarrier.arrive $0xFFFF;
	s2 =	simm.s32 @!p0 $0x1C03  }
0x61: {  	[timem:s3], [sflag:s2] =	dma.local @!p0 [hbm:s0], s1  }
0x62: {  	s0 =	simm.s32 @!p0 $0x3  }
0x63: {  	_ =	swait.ge @!p0 [sflag:s0], s1  }
0x64: {  	s1 =	ssub.s32 @!p0 $0x0, s1;
	[sflag:s0] =	ssyncset.done @!p0 $0x0  }
0x65: {  	[sflag:s0] =	ssyncadd.s32 @!p0 s1  }
0x66: {  	[bflag:$0x3] =	sbarrier.arrive $0xFFFF  }
0x67: {  	_ =	shalt  }

</sc_bundles>
